<compile_context>
chip_gen: v7x
topology: tpu7x:2x2x1
jax: 0.10.2.dev20260603
libtpu: 0.0.44.dev20260713+nightly
codegen_flags: <defaults>
</compile_context>

<pallas_src>
import functools

import jax
import jax.numpy as jnp
from jax import lax
from jax.experimental import pallas as pl
from jax.experimental.pallas import tpu as pltpu
from jax.experimental.pallas import tpu_sc as plsc

N_NODES = 1_000_000
LANES = 16

CHUNK = 7_808
N_WORKERS = 32
ITERS = 4
SC_CHUNKS = N_WORKERS * ITERS
SC_NODES = SC_CHUNKS * CHUNK
GROUPS = 2

TC_BLOCK = 262_144
TC_GRID = -(-N_NODES // TC_BLOCK)
TAIL_CHUNK = 1024
TAIL_BLOCK = SC_NODES // TAIL_CHUNK
TAIL_VALID = N_NODES - SC_NODES



def _sc_reduce_body(fringe_hbm, term_hbm, part_hbm,
                    f0, f1, t0, t1, acc_v, isem0, isem1):
    wid = lax.axis_index("s") * 2 + lax.axis_index("c")
    f_v, t_v = (f0, f1), (t0, t1)
    isems = (isem0, isem1)

    def in_copies(slot, chunk):
        off = chunk * CHUNK
        sl = pl.ds(off, CHUNK)
        return (
            pltpu.make_async_copy(fringe_hbm.at[sl], f_v[slot], isems[slot]),
            pltpu.make_async_copy(term_hbm.at[sl], t_v[slot], isems[slot]),
        )

    for c in in_copies(0, wid):
        c.start()

    accs = (jnp.zeros((LANES,), jnp.float32),) * GROUPS
    for it in range(ITERS):
        chunk = wid + it * N_WORKERS
        slot = it % 2

        if it + 1 < ITERS:
            for c in in_copies(1 - slot, chunk + N_WORKERS):
                c.start()

        for c in in_copies(slot, chunk):
            c.wait()

        @plsc.parallel_loop(0, CHUNK, step=GROUPS * LANES, unroll=1,
                            carry=accs)
        def body(j, carry):
            new = []
            for g in range(GROUPS):
                sl = pl.ds(j + g * LANES, LANES)
                new.append(carry[g]
                           + f_v[slot][sl] * t_v[slot][sl].astype(jnp.float32))
            return tuple(new)

        accs = body

    a0, a1 = accs
    acc_v[...] = a0 + a1
    pltpu.sync_copy(acc_v, part_hbm.at[wid])


@functools.partial(
    pl.kernel,
    out_type=jax.ShapeDtypeStruct((N_WORKERS, LANES), jnp.float32),
    mesh=plsc.VectorSubcoreMesh(core_axis_name="c", subcore_axis_name="s"),
    scratch_types=[
        pltpu.VMEM((CHUNK,), jnp.float32),
        pltpu.VMEM((CHUNK,), jnp.float32),
        pltpu.VMEM((CHUNK,), jnp.int32),
        pltpu.VMEM((CHUNK,), jnp.int32),
        pltpu.VMEM((LANES,), jnp.float32),
        pltpu.SemaphoreType.DMA,
        pltpu.SemaphoreType.DMA,
    ],
)
def _sc_reduce(*args):
    _sc_reduce_body(*args)




def _select_body(f_ref, m_ref, s_ref, o_ref):
    o_ref[...] = jnp.where(s_ref[...] == 0, f_ref[...], m_ref[...])


def _tc_select(fringe, minf, status):
    spec = pl.BlockSpec((TC_BLOCK,), lambda i: (i,))
    return pl.pallas_call(
        _select_body,
        grid=(TC_GRID,),
        in_specs=[spec, spec, spec],
        out_specs=spec,
        out_shape=jax.ShapeDtypeStruct((N_NODES,), jnp.float32),
    )(fringe, minf, status)




def _flux_body(step_ref, f_ref, t_ref, part_ref, flux_ref, out_ref):
    sl = pl.ds(0, TAIL_VALID)
    tail_sum = jnp.sum(f_ref[sl] * t_ref[sl].astype(jnp.float32))
    total = tail_sum + jnp.sum(part_ref[...])
    step = step_ref[0, 0]
    cols = lax.broadcasted_iota(jnp.int32, (1, 1000), 1)
    out_ref[...] = jnp.where(cols == step, total, flux_ref[...])


def _flux_update(step2d, fringe, term, partials, flux2d):
    tail_spec = pl.BlockSpec((TAIL_CHUNK,), lambda i: (TAIL_BLOCK,))
    return pl.pallas_call(
        _flux_body,
        grid=(1,),
        out_shape=jax.ShapeDtypeStruct((1, 1000), jnp.float32),
        in_specs=[
            pl.BlockSpec(memory_space=pltpu.SMEM),
            tail_spec,
            tail_spec,
            pl.BlockSpec((N_WORKERS, LANES), lambda i: (0, 0)),
            pl.BlockSpec((1, 1000), lambda i: (0, 0)),
        ],
        out_specs=pl.BlockSpec((1, 1000), lambda i: (0, 0)),
    )(step2d, fringe, term, partials, flux2d)


def kernel(fringe_thickness, min_fringe_thickness, fluxes, node_is_terminus,
           status_at_node, current_step):
    partials = _sc_reduce(fringe_thickness, node_is_terminus)
    cleared = _tc_select(fringe_thickness, min_fringe_thickness, status_at_node)
    step2d = jnp.asarray(current_step, jnp.int32).reshape(1, 1)
    flux2d = fluxes.reshape(1, 1000)
    out2d = _flux_update(step2d, fringe_thickness, node_is_terminus,
                         partials, flux2d)
    return cleared, out2d.reshape(fluxes.shape)

# --- scband reference (transcript-rebuilt; emitter-appended) ---
"""Pipeline reference for scband-flux-integrator-10660108829456 (READ-ONLY COPY).

The authoritative reference and input builder live on the scoring server;
editing this copy changes nothing except your own understanding.
"""

import jax, jax.numpy as jnp
import numpy as np

N_NODES = 1_000_000
N_STEPS = 1000

def setup_inputs(seed: int = 0) -> dict:
    key = jax.random.key(seed)
    k1, k2, k3, k4 = jax.random.split(key, 4)
    return {
        "fringe_thickness": jax.random.uniform(k1, (N_NODES,), dtype=jnp.float32),
        "min_fringe_thickness": jax.random.uniform(k2, (N_NODES,), dtype=jnp.float32),
        "fluxes": jnp.zeros((N_STEPS,), dtype=jnp.float32),
        "node_is_terminus": jax.random.randint(k3, (N_NODES,), 0, 2, dtype=jnp.int32),
        "status_at_node": jax.random.randint(k4, (N_NODES,), 0, 4, dtype=jnp.int32),
        "current_step": 0,
    }

def reference(fringe_thickness, min_fringe_thickness, fluxes, node_is_terminus, status_at_node, current_step):
    # FluxIntegrator.update: integrate sediment flux at terminus, then clear boundary fringe.
    # 1) masked reduction over all nodes, scatter-written into the step buffer
    terminus_flux = jnp.sum(fringe_thickness * node_is_terminus)
    updated_fluxes = fluxes.at[current_step].set(terminus_flux)
    # 2) clear_fringe: keep fringe only where grid status == 0 (core nodes), else reset to minimum
    cleared_fringe = jnp.where(status_at_node == 0, fringe_thickness, min_fringe_thickness)
    return cleared_fringe, updated_fluxes

if __name__ == "__main__":
    import jax
    _d = setup_inputs()
    print(jax.jit(kernel)(*tuple(_d.values())))

</pallas_src>

<mosaic_0001>
#map = affine_map<(d0, d1) -> (0)>
#map1 = affine_map<(d0, d1) -> (0, 0)>
module attributes {stable_mosaic.version = 14 : i64} {
  func.func @_sc_reduce(%arg0: i32, %arg1: i32, %arg2: memref<1000000xf32, #tpu.memory_space<hbm>>, %arg3: memref<1000000xi32, #tpu.memory_space<hbm>>, %arg4: memref<32x16xf32, #tpu.memory_space<hbm>>, %arg5: memref<7808xf32, #tpu.memory_space<vmem>>, %arg6: memref<7808xf32, #tpu.memory_space<vmem>>, %arg7: memref<7808xi32, #tpu.memory_space<vmem>>, %arg8: memref<7808xi32, #tpu.memory_space<vmem>>, %arg9: memref<16xf32, #tpu.memory_space<vmem>>, %arg10: memref<!tpu.dma_semaphore, #tpu.memory_space<semaphore_mem>>, %arg11: memref<!tpu.dma_semaphore, #tpu.memory_space<semaphore_mem>>) attributes {dimension_semantics = [#tpu.dimension_semantics<core_parallel>, #tpu.dimension_semantics<subcore_parallel>], iteration_bounds = array<i64: 2, 16>, scalar_prefetch = 0 : i64, scratch_operands = 7 : i64, tpu.core_type = #tpu.core_type<sc_vector_subcore>, window_params = [{transform_indices = #map}, {transform_indices = #map}, {transform_indices = #map1}]} {
    %mul3A = arith.constant 2 : i32
    %mul3A_0 = arith.muli %arg1, %mul3A : i32
    %add3A = arith.addi %mul3A_0, %arg0 : i32
    %mul3A_1 = arith.constant 7808 : i32
    %mul3A_2 = arith.muli %add3A, %mul3A_1 : i32
    %dma_start3A = tpu.memref_slice %arg2[%mul3A_2] : memref<1000000xf32, #tpu.memory_space<hbm>> -> memref<7808xf32, #tpu.memory_space<hbm>>
    %dma_start3A_3 = tpu.memref_slice %arg2[%mul3A_2] : memref<1000000xf32, #tpu.memory_space<hbm>> -> memref<7808xf32, #tpu.memory_space<hbm>>
    tpu.enqueue_dma source(%dma_start3A_3 : memref<7808xf32, #tpu.memory_space<hbm>>) target(%arg5 : memref<7808xf32, #tpu.memory_space<vmem>>) target_semaphore(%arg10 : memref<!tpu.dma_semaphore, #tpu.memory_space<semaphore_mem>>)
    %dma_start3A_4 = tpu.memref_slice %arg3[%mul3A_2] : memref<1000000xi32, #tpu.memory_space<hbm>> -> memref<7808xi32, #tpu.memory_space<hbm>>
    %dma_start3A_5 = tpu.memref_slice %arg3[%mul3A_2] : memref<1000000xi32, #tpu.memory_space<hbm>> -> memref<7808xi32, #tpu.memory_space<hbm>>
    tpu.enqueue_dma source(%dma_start3A_5 : memref<7808xi32, #tpu.memory_space<hbm>>) target(%arg7 : memref<7808xi32, #tpu.memory_space<vmem>>) target_semaphore(%arg10 : memref<!tpu.dma_semaphore, #tpu.memory_space<semaphore_mem>>)
    %broadcast_in_dim3A = arith.constant 0.000000e+00 : f32
    %broadcast_in_dim3A_6 = vector.broadcast %broadcast_in_dim3A : f32 to vector<16xf32>
    %add3A_7 = arith.constant 0 : i32
    %add3A_8 = arith.addi %add3A, %add3A_7 : i32
    %add3A_9 = arith.constant 32 : i32
    %add3A_10 = arith.addi %add3A_8, %add3A_9 : i32
    %mul3A_11 = arith.constant 7808 : i32
    %mul3A_12 = arith.muli %add3A_10, %mul3A_11 : i32
    %dma_start3A_13 = tpu.memref_slice %arg2[%mul3A_12] : memref<1000000xf32, #tpu.memory_space<hbm>> -> memref<7808xf32, #tpu.memory_space<hbm>>
    %dma_start3A_14 = tpu.memref_slice %arg2[%mul3A_12] : memref<1000000xf32, #tpu.memory_space<hbm>> -> memref<7808xf32, #tpu.memory_space<hbm>>
    tpu.enqueue_dma source(%dma_start3A_14 : memref<7808xf32, #tpu.memory_space<hbm>>) target(%arg6 : memref<7808xf32, #tpu.memory_space<vmem>>) target_semaphore(%arg11 : memref<!tpu.dma_semaphore, #tpu.memory_space<semaphore_mem>>)
    %dma_start3A_15 = tpu.memref_slice %arg3[%mul3A_12] : memref<1000000xi32, #tpu.memory_space<hbm>> -> memref<7808xi32, #tpu.memory_space<hbm>>
    %dma_start3A_16 = tpu.memref_slice %arg3[%mul3A_12] : memref<1000000xi32, #tpu.memory_space<hbm>> -> memref<7808xi32, #tpu.memory_space<hbm>>
    tpu.enqueue_dma source(%dma_start3A_16 : memref<7808xi32, #tpu.memory_space<hbm>>) target(%arg8 : memref<7808xi32, #tpu.memory_space<vmem>>) target_semaphore(%arg11 : memref<!tpu.dma_semaphore, #tpu.memory_space<semaphore_mem>>)
    %mul3A_17 = arith.constant 7808 : i32
    %mul3A_18 = arith.muli %add3A_8, %mul3A_17 : i32
    %dma_wait3A = tpu.memref_slice %arg2[%mul3A_18] : memref<1000000xf32, #tpu.memory_space<hbm>> -> memref<7808xf32, #tpu.memory_space<hbm>>
    %dma_wait3A_19 = tpu.memref_slice %arg2[%mul3A_18] : memref<1000000xf32, #tpu.memory_space<hbm>> -> memref<7808xf32, #tpu.memory_space<hbm>>
    tpu.wait_dma2 semaphore(%arg10 : memref<!tpu.dma_semaphore, #tpu.memory_space<semaphore_mem>>) src(%dma_wait3A_19 : memref<7808xf32, #tpu.memory_space<hbm>>) dst(%arg5 : memref<7808xf32, #tpu.memory_space<vmem>>)
    %dma_wait3A_20 = tpu.memref_slice %arg3[%mul3A_18] : memref<1000000xi32, #tpu.memory_space<hbm>> -> memref<7808xi32, #tpu.memory_space<hbm>>
    %dma_wait3A_21 = tpu.memref_slice %arg3[%mul3A_18] : memref<1000000xi32, #tpu.memory_space<hbm>> -> memref<7808xi32, #tpu.memory_space<hbm>>
    tpu.wait_dma2 semaphore(%arg10 : memref<!tpu.dma_semaphore, #tpu.memory_space<semaphore_mem>>) src(%dma_wait3A_21 : memref<7808xi32, #tpu.memory_space<hbm>>) dst(%arg7 : memref<7808xi32, #tpu.memory_space<vmem>>)
    %parallel_loop3A = arith.constant 0 : i32
    %parallel_loop3A_22 = arith.constant 7808 : i32
    %parallel_loop3A_23 = arith.constant 32 : i32
    %parallel_loop3A_24:2 = scf.for %parallel_loop3A_81 = %parallel_loop3A to %parallel_loop3A_22 step %parallel_loop3A_23 iter_args(%parallel_loop3A_82 = %broadcast_in_dim3A_6, %parallel_loop3A_83 = %broadcast_in_dim3A_6) -> (vector<16xf32>, vector<16xf32>)  : i32 {
      %parallel_loop3A_84 = arith.constant 0 : i32
      %parallel_loop3A_85 = arith.addi %parallel_loop3A_81, %parallel_loop3A_84 : i32
      %parallel_loop3A_86 = arith.index_cast %parallel_loop3A_85 : i32 to index
      %parallel_loop3A_87 = tpu.vector_load %arg5[%parallel_loop3A_86] {strides = array<i32>} : memref<7808xf32, #tpu.memory_space<vmem>>, vector<16xf32>,
      %parallel_loop3A_88 = vector.shape_cast %parallel_loop3A_87 : vector<16xf32> to vector<16xf32>
      %parallel_loop3A_89 = arith.index_cast %parallel_loop3A_85 : i32 to index
      %parallel_loop3A_90 = tpu.vector_load %arg7[%parallel_loop3A_89] {strides = array<i32>} : memref<7808xi32, #tpu.memory_space<vmem>>, vector<16xi32>,
      %parallel_loop3A_91 = vector.shape_cast %parallel_loop3A_90 : vector<16xi32> to vector<16xi32>
      %parallel_loop3A_92 = arith.sitofp %parallel_loop3A_91 : vector<16xi32> to vector<16xf32>
      %parallel_loop3A_93 = arith.mulf %parallel_loop3A_88, %parallel_loop3A_92 : vector<16xf32>
      %parallel_loop3A_94 = arith.addf %parallel_loop3A_82, %parallel_loop3A_93 : vector<16xf32>
      %parallel_loop3A_95 = arith.constant 16 : i32
      %parallel_loop3A_96 = arith.addi %parallel_loop3A_81, %parallel_loop3A_95 : i32
      %parallel_loop3A_97 = arith.index_cast %parallel_loop3A_96 : i32 to index
      %parallel_loop3A_98 = tpu.vector_load %arg5[%parallel_loop3A_97] {strides = array<i32>} : memref<7808xf32, #tpu.memory_space<vmem>>, vector<16xf32>,
      %parallel_loop3A_99 = vector.shape_cast %parallel_loop3A_98 : vector<16xf32> to vector<16xf32>
      %parallel_loop3A_100 = arith.index_cast %parallel_loop3A_96 : i32 to index
      %parallel_loop3A_101 = tpu.vector_load %arg7[%parallel_loop3A_100] {strides = array<i32>} : memref<7808xi32, #tpu.memory_space<vmem>>, vector<16xi32>,
      %parallel_loop3A_102 = vector.shape_cast %parallel_loop3A_101 : vector<16xi32> to vector<16xi32>
      %parallel_loop3A_103 = arith.sitofp %parallel_loop3A_102 : vector<16xi32> to vector<16xf32>
      %parallel_loop3A_104 = arith.mulf %parallel_loop3A_99, %parallel_loop3A_103 : vector<16xf32>
      %parallel_loop3A_105 = arith.addf %parallel_loop3A_83, %parallel_loop3A_104 : vector<16xf32>
      scf.yield %parallel_loop3A_94, %parallel_loop3A_105 : vector<16xf32>, vector<16xf32>
    } {sc.loop_unroll_factor = 1 : i64, sc.parallel_access}
    %add3A_25 = arith.constant 32 : i32
    %add3A_26 = arith.addi %add3A, %add3A_25 : i32
    %add3A_27 = arith.constant 32 : i32
    %add3A_28 = arith.addi %add3A_26, %add3A_27 : i32
    %mul3A_29 = arith.constant 7808 : i32
    %mul3A_30 = arith.muli %add3A_28, %mul3A_29 : i32
    %dma_start3A_31 = tpu.memref_slice %arg2[%mul3A_30] : memref<1000000xf32, #tpu.memory_space<hbm>> -> memref<7808xf32, #tpu.memory_space<hbm>>
    %dma_start3A_32 = tpu.memref_slice %arg2[%mul3A_30] : memref<1000000xf32, #tpu.memory_space<hbm>> -> memref<7808xf32, #tpu.memory_space<hbm>>
    tpu.enqueue_dma source(%dma_start3A_32 : memref<7808xf32, #tpu.memory_space<hbm>>) target(%arg5 : memref<7808xf32, #tpu.memory_space<vmem>>) target_semaphore(%arg10 : memref<!tpu.dma_semaphore, #tpu.memory_space<semaphore_mem>>)
    %dma_start3A_33 = tpu.memref_slice %arg3[%mul3A_30] : memref<1000000xi32, #tpu.memory_space<hbm>> -> memref<7808xi32, #tpu.memory_space<hbm>>
    %dma_start3A_34 = tpu.memref_slice %arg3[%mul3A_30] : memref<1000000xi32, #tpu.memory_space<hbm>> -> memref<7808xi32, #tpu.memory_space<hbm>>
    tpu.enqueue_dma source(%dma_start3A_34 : memref<7808xi32, #tpu.memory_space<hbm>>) target(%arg7 : memref<7808xi32, #tpu.memory_space<vmem>>) target_semaphore(%arg10 : memref<!tpu.dma_semaphore, #tpu.memory_space<semaphore_mem>>)
    %mul3A_35 = arith.constant 7808 : i32
    %mul3A_36 = arith.muli %add3A_26, %mul3A_35 : i32
    %dma_wait3A_37 = tpu.memref_slice %arg2[%mul3A_36] : memref<1000000xf32, #tpu.memory_space<hbm>> -> memref<7808xf32, #tpu.memory_space<hbm>>
    %dma_wait3A_38 = tpu.memref_slice %arg2[%mul3A_36] : memref<1000000xf32, #tpu.memory_space<hbm>> -> memref<7808xf32, #tpu.memory_space<hbm>>
    tpu.wait_dma2 semaphore(%arg11 : memref<!tpu.dma_semaphore, #tpu.memory_space<semaphore_mem>>) src(%dma_wait3A_38 : memref<7808xf32, #tpu.memory_space<hbm>>) dst(%arg6 : memref<7808xf32, #tpu.memory_space<vmem>>)
    %dma_wait3A_39 = tpu.memref_slice %arg3[%mul3A_36] : memref<1000000xi32, #tpu.memory_space<hbm>> -> memref<7808xi32, #tpu.memory_space<hbm>>
    %dma_wait3A_40 = tpu.memref_slice %arg3[%mul3A_36] : memref<1000000xi32, #tpu.memory_space<hbm>> -> memref<7808xi32, #tpu.memory_space<hbm>>
    tpu.wait_dma2 semaphore(%arg11 : memref<!tpu.dma_semaphore, #tpu.memory_space<semaphore_mem>>) src(%dma_wait3A_40 : memref<7808xi32, #tpu.memory_space<hbm>>) dst(%arg8 : memref<7808xi32, #tpu.memory_space<vmem>>)
    %parallel_loop3A_41 = arith.constant 0 : i32
    %parallel_loop3A_42 = arith.constant 7808 : i32
    %parallel_loop3A_43 = arith.constant 32 : i32
    %parallel_loop3A_44:2 = scf.for %parallel_loop3A_81 = %parallel_loop3A_41 to %parallel_loop3A_42 step %parallel_loop3A_43 iter_args(%parallel_loop3A_82 = %parallel_loop3A_24#0, %parallel_loop3A_83 = %parallel_loop3A_24#1) -> (vector<16xf32>, vector<16xf32>)  : i32 {
      %parallel_loop3A_84 = arith.constant 0 : i32
      %parallel_loop3A_85 = arith.addi %parallel_loop3A_81, %parallel_loop3A_84 : i32
      %parallel_loop3A_86 = arith.index_cast %parallel_loop3A_85 : i32 to index
      %parallel_loop3A_87 = tpu.vector_load %arg6[%parallel_loop3A_86] {strides = array<i32>} : memref<7808xf32, #tpu.memory_space<vmem>>, vector<16xf32>,
      %parallel_loop3A_88 = vector.shape_cast %parallel_loop3A_87 : vector<16xf32> to vector<16xf32>
      %parallel_loop3A_89 = arith.index_cast %parallel_loop3A_85 : i32 to index
      %parallel_loop3A_90 = tpu.vector_load %arg8[%parallel_loop3A_89] {strides = array<i32>} : memref<7808xi32, #tpu.memory_space<vmem>>, vector<16xi32>,
      %parallel_loop3A_91 = vector.shape_cast %parallel_loop3A_90 : vector<16xi32> to vector<16xi32>
      %parallel_loop3A_92 = arith.sitofp %parallel_loop3A_91 : vector<16xi32> to vector<16xf32>
      %parallel_loop3A_93 = arith.mulf %parallel_loop3A_88, %parallel_loop3A_92 : vector<16xf32>
      %parallel_loop3A_94 = arith.addf %parallel_loop3A_82, %parallel_loop3A_93 : vector<16xf32>
      %parallel_loop3A_95 = arith.constant 16 : i32
      %parallel_loop3A_96 = arith.addi %parallel_loop3A_81, %parallel_loop3A_95 : i32
      %parallel_loop3A_97 = arith.index_cast %parallel_loop3A_96 : i32 to index
      %parallel_loop3A_98 = tpu.vector_load %arg6[%parallel_loop3A_97] {strides = array<i32>} : memref<7808xf32, #tpu.memory_space<vmem>>, vector<16xf32>,
      %parallel_loop3A_99 = vector.shape_cast %parallel_loop3A_98 : vector<16xf32> to vector<16xf32>
      %parallel_loop3A_100 = arith.index_cast %parallel_loop3A_96 : i32 to index
      %parallel_loop3A_101 = tpu.vector_load %arg8[%parallel_loop3A_100] {strides = array<i32>} : memref<7808xi32, #tpu.memory_space<vmem>>, vector<16xi32>,
      %parallel_loop3A_102 = vector.shape_cast %parallel_loop3A_101 : vector<16xi32> to vector<16xi32>
      %parallel_loop3A_103 = arith.sitofp %parallel_loop3A_102 : vector<16xi32> to vector<16xf32>
      %parallel_loop3A_104 = arith.mulf %parallel_loop3A_99, %parallel_loop3A_103 : vector<16xf32>
      %parallel_loop3A_105 = arith.addf %parallel_loop3A_83, %parallel_loop3A_104 : vector<16xf32>
      scf.yield %parallel_loop3A_94, %parallel_loop3A_105 : vector<16xf32>, vector<16xf32>
    } {sc.loop_unroll_factor = 1 : i64, sc.parallel_access}
    %add3A_45 = arith.constant 64 : i32
    %add3A_46 = arith.addi %add3A, %add3A_45 : i32
    %add3A_47 = arith.constant 32 : i32
    %add3A_48 = arith.addi %add3A_46, %add3A_47 : i32
    %mul3A_49 = arith.constant 7808 : i32
    %mul3A_50 = arith.muli %add3A_48, %mul3A_49 : i32
    %dma_start3A_51 = tpu.memref_slice %arg2[%mul3A_50] : memref<1000000xf32, #tpu.memory_space<hbm>> -> memref<7808xf32, #tpu.memory_space<hbm>>
    %dma_start3A_52 = tpu.memref_slice %arg2[%mul3A_50] : memref<1000000xf32, #tpu.memory_space<hbm>> -> memref<7808xf32, #tpu.memory_space<hbm>>
    tpu.enqueue_dma source(%dma_start3A_52 : memref<7808xf32, #tpu.memory_space<hbm>>) target(%arg6 : memref<7808xf32, #tpu.memory_space<vmem>>) target_semaphore(%arg11 : memref<!tpu.dma_semaphore, #tpu.memory_space<semaphore_mem>>)
    %dma_start3A_53 = tpu.memref_slice %arg3[%mul3A_50] : memref<1000000xi32, #tpu.memory_space<hbm>> -> memref<7808xi32, #tpu.memory_space<hbm>>
    %dma_start3A_54 = tpu.memref_slice %arg3[%mul3A_50] : memref<1000000xi32, #tpu.memory_space<hbm>> -> memref<7808xi32, #tpu.memory_space<hbm>>
    tpu.enqueue_dma source(%dma_start3A_54 : memref<7808xi32, #tpu.memory_space<hbm>>) target(%arg8 : memref<7808xi32, #tpu.memory_space<vmem>>) target_semaphore(%arg11 : memref<!tpu.dma_semaphore, #tpu.memory_space<semaphore_mem>>)
    %mul3A_55 = arith.constant 7808 : i32
    %mul3A_56 = arith.muli %add3A_46, %mul3A_55 : i32
    %dma_wait3A_57 = tpu.memref_slice %arg2[%mul3A_56] : memref<1000000xf32, #tpu.memory_space<hbm>> -> memref<7808xf32, #tpu.memory_space<hbm>>
    %dma_wait3A_58 = tpu.memref_slice %arg2[%mul3A_56] : memref<1000000xf32, #tpu.memory_space<hbm>> -> memref<7808xf32, #tpu.memory_space<hbm>>
    tpu.wait_dma2 semaphore(%arg10 : memref<!tpu.dma_semaphore, #tpu.memory_space<semaphore_mem>>) src(%dma_wait3A_58 : memref<7808xf32, #tpu.memory_space<hbm>>) dst(%arg5 : memref<7808xf32, #tpu.memory_space<vmem>>)
    %dma_wait3A_59 = tpu.memref_slice %arg3[%mul3A_56] : memref<1000000xi32, #tpu.memory_space<hbm>> -> memref<7808xi32, #tpu.memory_space<hbm>>
    %dma_wait3A_60 = tpu.memref_slice %arg3[%mul3A_56] : memref<1000000xi32, #tpu.memory_space<hbm>> -> memref<7808xi32, #tpu.memory_space<hbm>>
    tpu.wait_dma2 semaphore(%arg10 : memref<!tpu.dma_semaphore, #tpu.memory_space<semaphore_mem>>) src(%dma_wait3A_60 : memref<7808xi32, #tpu.memory_space<hbm>>) dst(%arg7 : memref<7808xi32, #tpu.memory_space<vmem>>)
    %parallel_loop3A_61 = arith.constant 0 : i32
    %parallel_loop3A_62 = arith.constant 7808 : i32
    %parallel_loop3A_63 = arith.constant 32 : i32
    %parallel_loop3A_64:2 = scf.for %parallel_loop3A_81 = %parallel_loop3A_61 to %parallel_loop3A_62 step %parallel_loop3A_63 iter_args(%parallel_loop3A_82 = %parallel_loop3A_44#0, %parallel_loop3A_83 = %parallel_loop3A_44#1) -> (vector<16xf32>, vector<16xf32>)  : i32 {
      %parallel_loop3A_84 = arith.constant 0 : i32
      %parallel_loop3A_85 = arith.addi %parallel_loop3A_81, %parallel_loop3A_84 : i32
      %parallel_loop3A_86 = arith.index_cast %parallel_loop3A_85 : i32 to index
      %parallel_loop3A_87 = tpu.vector_load %arg5[%parallel_loop3A_86] {strides = array<i32>} : memref<7808xf32, #tpu.memory_space<vmem>>, vector<16xf32>,
      %parallel_loop3A_88 = vector.shape_cast %parallel_loop3A_87 : vector<16xf32> to vector<16xf32>
      %parallel_loop3A_89 = arith.index_cast %parallel_loop3A_85 : i32 to index
      %parallel_loop3A_90 = tpu.vector_load %arg7[%parallel_loop3A_89] {strides = array<i32>} : memref<7808xi32, #tpu.memory_space<vmem>>, vector<16xi32>,
      %parallel_loop3A_91 = vector.shape_cast %parallel_loop3A_90 : vector<16xi32> to vector<16xi32>
      %parallel_loop3A_92 = arith.sitofp %parallel_loop3A_91 : vector<16xi32> to vector<16xf32>
      %parallel_loop3A_93 = arith.mulf %parallel_loop3A_88, %parallel_loop3A_92 : vector<16xf32>
      %parallel_loop3A_94 = arith.addf %parallel_loop3A_82, %parallel_loop3A_93 : vector<16xf32>
      %parallel_loop3A_95 = arith.constant 16 : i32
      %parallel_loop3A_96 = arith.addi %parallel_loop3A_81, %parallel_loop3A_95 : i32
      %parallel_loop3A_97 = arith.index_cast %parallel_loop3A_96 : i32 to index
      %parallel_loop3A_98 = tpu.vector_load %arg5[%parallel_loop3A_97] {strides = array<i32>} : memref<7808xf32, #tpu.memory_space<vmem>>, vector<16xf32>,
      %parallel_loop3A_99 = vector.shape_cast %parallel_loop3A_98 : vector<16xf32> to vector<16xf32>
      %parallel_loop3A_100 = arith.index_cast %parallel_loop3A_96 : i32 to index
      %parallel_loop3A_101 = tpu.vector_load %arg7[%parallel_loop3A_100] {strides = array<i32>} : memref<7808xi32, #tpu.memory_space<vmem>>, vector<16xi32>,
      %parallel_loop3A_102 = vector.shape_cast %parallel_loop3A_101 : vector<16xi32> to vector<16xi32>
      %parallel_loop3A_103 = arith.sitofp %parallel_loop3A_102 : vector<16xi32> to vector<16xf32>
      %parallel_loop3A_104 = arith.mulf %parallel_loop3A_99, %parallel_loop3A_103 : vector<16xf32>
      %parallel_loop3A_105 = arith.addf %parallel_loop3A_83, %parallel_loop3A_104 : vector<16xf32>
      scf.yield %parallel_loop3A_94, %parallel_loop3A_105 : vector<16xf32>, vector<16xf32>
    } {sc.loop_unroll_factor = 1 : i64, sc.parallel_access}
    %add3A_65 = arith.constant 96 : i32
    %add3A_66 = arith.addi %add3A, %add3A_65 : i32
    %mul3A_67 = arith.constant 7808 : i32
    %mul3A_68 = arith.muli %add3A_66, %mul3A_67 : i32
    %dma_wait3A_69 = tpu.memref_slice %arg2[%mul3A_68] : memref<1000000xf32, #tpu.memory_space<hbm>> -> memref<7808xf32, #tpu.memory_space<hbm>>
    %dma_wait3A_70 = tpu.memref_slice %arg2[%mul3A_68] : memref<1000000xf32, #tpu.memory_space<hbm>> -> memref<7808xf32, #tpu.memory_space<hbm>>
    tpu.wait_dma2 semaphore(%arg11 : memref<!tpu.dma_semaphore, #tpu.memory_space<semaphore_mem>>) src(%dma_wait3A_70 : memref<7808xf32, #tpu.memory_space<hbm>>) dst(%arg6 : memref<7808xf32, #tpu.memory_space<vmem>>)
    %dma_wait3A_71 = tpu.memref_slice %arg3[%mul3A_68] : memref<1000000xi32, #tpu.memory_space<hbm>> -> memref<7808xi32, #tpu.memory_space<hbm>>
    %dma_wait3A_72 = tpu.memref_slice %arg3[%mul3A_68] : memref<1000000xi32, #tpu.memory_space<hbm>> -> memref<7808xi32, #tpu.memory_space<hbm>>
    tpu.wait_dma2 semaphore(%arg11 : memref<!tpu.dma_semaphore, #tpu.memory_space<semaphore_mem>>) src(%dma_wait3A_72 : memref<7808xi32, #tpu.memory_space<hbm>>) dst(%arg8 : memref<7808xi32, #tpu.memory_space<vmem>>)
    %parallel_loop3A_73 = arith.constant 0 : i32
    %parallel_loop3A_74 = arith.constant 7808 : i32
    %parallel_loop3A_75 = arith.constant 32 : i32
    %parallel_loop3A_76:2 = scf.for %parallel_loop3A_81 = %parallel_loop3A_73 to %parallel_loop3A_74 step %parallel_loop3A_75 iter_args(%parallel_loop3A_82 = %parallel_loop3A_64#0, %parallel_loop3A_83 = %parallel_loop3A_64#1) -> (vector<16xf32>, vector<16xf32>)  : i32 {
      %parallel_loop3A_84 = arith.constant 0 : i32
      %parallel_loop3A_85 = arith.addi %parallel_loop3A_81, %parallel_loop3A_84 : i32
      %parallel_loop3A_86 = arith.index_cast %parallel_loop3A_85 : i32 to index
      %parallel_loop3A_87 = tpu.vector_load %arg6[%parallel_loop3A_86] {strides = array<i32>} : memref<7808xf32, #tpu.memory_space<vmem>>, vector<16xf32>,
      %parallel_loop3A_88 = vector.shape_cast %parallel_loop3A_87 : vector<16xf32> to vector<16xf32>
      %parallel_loop3A_89 = arith.index_cast %parallel_loop3A_85 : i32 to index
      %parallel_loop3A_90 = tpu.vector_load %arg8[%parallel_loop3A_89] {strides = array<i32>} : memref<7808xi32, #tpu.memory_space<vmem>>, vector<16xi32>,
      %parallel_loop3A_91 = vector.shape_cast %parallel_loop3A_90 : vector<16xi32> to vector<16xi32>
      %parallel_loop3A_92 = arith.sitofp %parallel_loop3A_91 : vector<16xi32> to vector<16xf32>
      %parallel_loop3A_93 = arith.mulf %parallel_loop3A_88, %parallel_loop3A_92 : vector<16xf32>
      %parallel_loop3A_94 = arith.addf %parallel_loop3A_82, %parallel_loop3A_93 : vector<16xf32>
      %parallel_loop3A_95 = arith.constant 16 : i32
      %parallel_loop3A_96 = arith.addi %parallel_loop3A_81, %parallel_loop3A_95 : i32
      %parallel_loop3A_97 = arith.index_cast %parallel_loop3A_96 : i32 to index
      %parallel_loop3A_98 = tpu.vector_load %arg6[%parallel_loop3A_97] {strides = array<i32>} : memref<7808xf32, #tpu.memory_space<vmem>>, vector<16xf32>,
      %parallel_loop3A_99 = vector.shape_cast %parallel_loop3A_98 : vector<16xf32> to vector<16xf32>
      %parallel_loop3A_100 = arith.index_cast %parallel_loop3A_96 : i32 to index
      %parallel_loop3A_101 = tpu.vector_load %arg8[%parallel_loop3A_100] {strides = array<i32>} : memref<7808xi32, #tpu.memory_space<vmem>>, vector<16xi32>,
      %parallel_loop3A_102 = vector.shape_cast %parallel_loop3A_101 : vector<16xi32> to vector<16xi32>
      %parallel_loop3A_103 = arith.sitofp %parallel_loop3A_102 : vector<16xi32> to vector<16xf32>
      %parallel_loop3A_104 = arith.mulf %parallel_loop3A_99, %parallel_loop3A_103 : vector<16xf32>
      %parallel_loop3A_105 = arith.addf %parallel_loop3A_83, %parallel_loop3A_104 : vector<16xf32>
      scf.yield %parallel_loop3A_94, %parallel_loop3A_105 : vector<16xf32>, vector<16xf32>
    } {sc.loop_unroll_factor = 1 : i64, sc.parallel_access}
    %add3A_77 = arith.addf %parallel_loop3A_76#0, %parallel_loop3A_76#1 : vector<16xf32>
    %swap3A = arith.constant 0 : index
    %swap3A_78 = tpu.vector_load %arg9[%swap3A] {strides = array<i32>} : memref<16xf32, #tpu.memory_space<vmem>>, vector<16xf32>,
    %swap3A_79 = vector.shape_cast %swap3A_78 : vector<16xf32> to vector<16xf32>
    %swap3A_80 = vector.shape_cast %add3A_77 : vector<16xf32> to vector<16xf32>
    tpu.vector_store %arg9[%swap3A], %swap3A_80 {strides = array<i32>} : memref<16xf32, #tpu.memory_space<vmem>>, vector<16xf32>,
    "tpu.region"() ({
      %run_scoped3A = tpu.sem_alloc : memref<!tpu.dma_semaphore, #tpu.memory_space<semaphore_mem>>
      %dma_start3A_81 = arith.constant 0 : i32
      %dma_start3A_82 = tpu.memref_slice %arg4[%add3A, %dma_start3A_81] : memref<32x16xf32, #tpu.memory_space<hbm>> -> memref<1x16xf32, #tpu.memory_space<hbm>>
      %dma_start3A_83 = tpu.memref_squeeze %dma_start3A_82 : memref<1x16xf32, #tpu.memory_space<hbm>> -> memref<16xf32, #tpu.memory_space<hbm>>
      %dma_start3A_84 = arith.constant 0 : i32
      %dma_start3A_85 = tpu.memref_slice %arg4[%add3A, %dma_start3A_84] : memref<32x16xf32, #tpu.memory_space<hbm>> -> memref<1x16xf32, #tpu.memory_space<hbm>>
      %dma_start3A_86 = tpu.memref_squeeze %dma_start3A_85 : memref<1x16xf32, #tpu.memory_space<hbm>> -> memref<16xf32, #tpu.memory_space<hbm>>
      tpu.enqueue_dma source(%arg9 : memref<16xf32, #tpu.memory_space<vmem>>) target(%dma_start3A_86 : memref<16xf32, #tpu.memory_space<hbm>>) target_semaphore(%run_scoped3A : memref<!tpu.dma_semaphore, #tpu.memory_space<semaphore_mem>>)
      %dma_wait3A_87 = arith.constant 0 : i32
      %dma_wait3A_88 = tpu.memref_slice %arg4[%add3A, %dma_wait3A_87] : memref<32x16xf32, #tpu.memory_space<hbm>> -> memref<1x16xf32, #tpu.memory_space<hbm>>
      %dma_wait3A_89 = tpu.memref_squeeze %dma_wait3A_88 : memref<1x16xf32, #tpu.memory_space<hbm>> -> memref<16xf32, #tpu.memory_space<hbm>>
      %dma_wait3A_90 = arith.constant 0 : i32
      %dma_wait3A_91 = tpu.memref_slice %arg4[%add3A, %dma_wait3A_90] : memref<32x16xf32, #tpu.memory_space<hbm>> -> memref<1x16xf32, #tpu.memory_space<hbm>>
      %dma_wait3A_92 = tpu.memref_squeeze %dma_wait3A_91 : memref<1x16xf32, #tpu.memory_space<hbm>> -> memref<16xf32, #tpu.memory_space<hbm>>
      tpu.wait_dma2 semaphore(%run_scoped3A : memref<!tpu.dma_semaphore, #tpu.memory_space<semaphore_mem>>) src(%arg9 : memref<16xf32, #tpu.memory_space<vmem>>) dst(%dma_wait3A_92 : memref<16xf32, #tpu.memory_space<hbm>>)
      tpu.yield
    }) : () -> ()
    return
  }
}

module attributes {stable_mosaic.version = 14 : i64} {
  func.func @_select_body(%arg0: i32, %arg1: memref<262144xf32, #tpu.memory_space<vmem>>, %arg2: memref<262144xf32, #tpu.memory_space<vmem>>, %arg3: memref<262144xi32, #tpu.memory_space<vmem>>, %arg4: memref<262144xf32, #tpu.memory_space<vmem>>) attributes {dimension_semantics = [#tpu.dimension_semantics<arbitrary>], iteration_bounds = array<i64: 4>, scalar_prefetch = 0 : i64, scratch_operands = 0 : i64, tpu.core_type = #tpu.core_type<tc>, window_params = [{transform_indices = @transform_0, window_bounds = array<i64: 262144>}, {transform_indices = @transform_1, window_bounds = array<i64: 262144>}, {transform_indices = @transform_2, window_bounds = array<i64: 262144>}, {transform_indices = @transform_3, window_bounds = array<i64: 262144>}]} {
    %get3A = arith.constant 0 : index
    %get3A_0 = vector.load %arg3[%get3A] : memref<262144xi32, #tpu.memory_space<vmem>>, vector<262144xi32>
    %eq3A = arith.constant 0 : i32
    %eq3A_1 = vector.broadcast %eq3A : i32 to vector<262144xi32>
    %eq3A_2 = arith.cmpi eq, %get3A_0, %eq3A_1 : vector<262144xi32>
    %get3A_3 = arith.constant 0 : index
    %get3A_4 = vector.load %arg1[%get3A_3] : memref<262144xf32, #tpu.memory_space<vmem>>, vector<262144xf32>
    %get3A_5 = arith.constant 0 : index
    %get3A_6 = vector.load %arg2[%get3A_5] : memref<262144xf32, #tpu.memory_space<vmem>>, vector<262144xf32>
    %select_n3A = arith.select %eq3A_2, %get3A_4, %get3A_6 : vector<262144xi1>, vector<262144xf32>
    %swap3A = arith.constant 0 : index
    %swap3A_7 = vector.load %arg4[%swap3A] : memref<262144xf32, #tpu.memory_space<vmem>>, vector<262144xf32>
    tpu.vector_store %arg4[%swap3A], %select_n3A {strides = array<i32>} : memref<262144xf32, #tpu.memory_space<vmem>>, vector<262144xf32>,
    return
  }
  func.func @transform_0(%arg0: i32) -> i32 {
    %c0_i32 = arith.constant 0 : i32
    return %arg0 : i32
  }
  func.func @transform_1(%arg0: i32) -> i32 {
    %c0_i32 = arith.constant 0 : i32
    return %arg0 : i32
  }
  func.func @transform_2(%arg0: i32) -> i32 {
    %c0_i32 = arith.constant 0 : i32
    return %arg0 : i32
  }
  func.func @transform_3(%arg0: i32) -> i32 {
    %c0_i32 = arith.constant 0 : i32
    return %arg0 : i32
  }
}

module attributes {stable_mosaic.version = 14 : i64} {
  func.func @_flux_body(%arg0: i32, %arg1: memref<1x1xi32, #tpu.memory_space<smem>>, %arg2: memref<1024xf32, #tpu.memory_space<vmem>>, %arg3: memref<1024xi32, #tpu.memory_space<vmem>>, %arg4: memref<32x16xf32, #tpu.memory_space<vmem>>, %arg5: memref<1x1000xf32, #tpu.memory_space<vmem>>, %arg6: memref<1x1000xf32, #tpu.memory_space<vmem>>) attributes {dimension_semantics = [#tpu.dimension_semantics<arbitrary>], iteration_bounds = array<i64: 1>, scalar_prefetch = 0 : i64, scratch_operands = 0 : i64, tpu.core_type = #tpu.core_type<tc>, window_params = [{transform_indices = @transform_0, window_bounds = array<i64: 1, 1>}, {transform_indices = @transform_1, window_bounds = array<i64: 1024>}, {transform_indices = @transform_2, window_bounds = array<i64: 1024>}, {pipeline_mode = #tpu.pipeline_mode<synchronous>, transform_indices = @transform_3, window_bounds = array<i64: 32, 16>}, {pipeline_mode = #tpu.pipeline_mode<synchronous>, transform_indices = @transform_4, window_bounds = array<i64: 1, 1000>}, {pipeline_mode = #tpu.pipeline_mode<synchronous>, transform_indices = @transform_5, window_bounds = array<i64: 1, 1000>}]} {
    %get3A = arith.constant 0 : index
    %get3A_0 = vector.load %arg2[%get3A] : memref<1024xf32, #tpu.memory_space<vmem>>, vector<576xf32>
    %get3A_1 = arith.constant 0 : index
    %get3A_2 = vector.load %arg3[%get3A_1] : memref<1024xi32, #tpu.memory_space<vmem>>, vector<576xi32>
    %convert_element_type3A = arith.sitofp %get3A_2 : vector<576xi32> to vector<576xf32>
    %mul3A = arith.mulf %get3A_0, %convert_element_type3A : vector<576xf32>
    %reduce_sum3A = vector.shape_cast %mul3A : vector<576xf32> to vector<1x576xf32>
    %reduce_sum3A_3 = arith.constant dense<0.000000e+00> : vector<1xf32>
    %reduce_sum3A_4 = vector.multi_reduction <add>, %reduce_sum3A, %reduce_sum3A_3 [1] : vector<1x576xf32> to vector<1xf32>
    %reduce_sum3A_5 = vector.shape_cast %reduce_sum3A_4 : vector<1xf32> to vector<1x1xf32>
    %reduce_sum3A_6 = vector.extract %reduce_sum3A_5[0, 0] : f32 from vector<1x1xf32>
    %get3A_7 = arith.constant 0 : index
    %get3A_8 = arith.constant 0 : index
    %get3A_9 = vector.load %arg4[%get3A_7, %get3A_8] : memref<32x16xf32, #tpu.memory_space<vmem>>, vector<32x16xf32>
    %reduce_sum3A_10 = vector.shape_cast %get3A_9 : vector<32x16xf32> to vector<1x32x16xf32>
    %reduce_sum3A_11 = arith.constant dense<0.000000e+00> : vector<1xf32>
    %reduce_sum3A_12 = vector.multi_reduction <add>, %reduce_sum3A_10, %reduce_sum3A_11 [1, 2] : vector<1x32x16xf32> to vector<1xf32>
    %reduce_sum3A_13 = vector.shape_cast %reduce_sum3A_12 : vector<1xf32> to vector<1x1x1xf32>
    %reduce_sum3A_14 = vector.extract %reduce_sum3A_13[0, 0, 0] : f32 from vector<1x1x1xf32>
    %add3A = arith.addf %reduce_sum3A_6, %reduce_sum3A_14 : f32
    %get3A_15 = arith.constant 0 : index
    %get3A_16 = arith.constant 0 : index
    %get3A_17 = memref.load %arg1[%get3A_15, %get3A_16] : memref<1x1xi32, #tpu.memory_space<smem>>
    %iota3A = tpu.iota {dimensions = array<i32: 1>} : vector<1x1000xi32>
    %eq3A = vector.broadcast %get3A_17 : i32 to vector<1x1000xi32>
    %eq3A_18 = arith.cmpi eq, %iota3A, %eq3A : vector<1x1000xi32>
    %get3A_19 = arith.constant 0 : index
    %get3A_20 = arith.constant 0 : index
    %get3A_21 = vector.load %arg5[%get3A_19, %get3A_20] : memref<1x1000xf32, #tpu.memory_space<vmem>>, vector<1x1000xf32>
    %broadcast_in_dim3A = vector.broadcast %add3A : f32 to vector<1x1000xf32>
    %select_n3A = arith.select %eq3A_18, %broadcast_in_dim3A, %get3A_21 : vector<1x1000xi1>, vector<1x1000xf32>
    %swap3A = arith.constant 0 : index
    %swap3A_22 = arith.constant 0 : index
    %swap3A_23 = vector.load %arg6[%swap3A, %swap3A_22] : memref<1x1000xf32, #tpu.memory_space<vmem>>, vector<1x1000xf32>
    tpu.vector_store %arg6[%swap3A, %swap3A_22], %select_n3A {strides = array<i32>} : memref<1x1000xf32, #tpu.memory_space<vmem>>, vector<1x1000xf32>,
    return
  }
  func.func @transform_0(%arg0: i32) -> (i32, i32) {
    %c0_i32 = arith.constant 0 : i32
    %c0_i32_0 = arith.constant 0 : i32
    %c0_i32_1 = arith.constant 0 : i32
    return %c0_i32, %c0_i32_0 : i32, i32
  }
  func.func @transform_1(%arg0: i32) -> i32 {
    %c976_i32 = arith.constant 976 : i32
    %c0_i32 = arith.constant 0 : i32
    return %c976_i32 : i32
  }
  func.func @transform_2(%arg0: i32) -> i32 {
    %c976_i32 = arith.constant 976 : i32
    %c0_i32 = arith.constant 0 : i32
    return %c976_i32 : i32
  }
  func.func @transform_3(%arg0: i32) -> (i32, i32) {
    %c0_i32 = arith.constant 0 : i32
    %c0_i32_0 = arith.constant 0 : i32
    %c0_i32_1 = arith.constant 0 : i32
    return %c0_i32, %c0_i32_0 : i32, i32
  }
  func.func @transform_4(%arg0: i32) -> (i32, i32) {
    %c0_i32 = arith.constant 0 : i32
    %c0_i32_0 = arith.constant 0 : i32
    %c0_i32_1 = arith.constant 0 : i32
    return %c0_i32, %c0_i32_0 : i32, i32
  }
  func.func @transform_5(%arg0: i32) -> (i32, i32) {
    %c0_i32 = arith.constant 0 : i32
    %c0_i32_0 = arith.constant 0 : i32
    %c0_i32_1 = arith.constant 0 : i32
    return %c0_i32, %c0_i32_0 : i32, i32
  }
}

</mosaic_0001>

<sc_bundles>
// kernel: kernel.5.cloned.1.call-start
scs
__scs_entry_jumppad:
0x0: {  	(pc) =	sbr.rel $0x88, $3  }
0x1: {  	(tag) =	ssettag $0x0;
	lr =	simm.s32 $0x1  }
0x2: {  	[smem:$0x3F9B] =	sst lr;
	_ =	strace $0xD0000000  }
0x3: {  	_ = 	snop  }
0x4: {  	_ = 	snop  }
0x5: {  	_ = 	snop  }
0x6: {  	_ = 	snop  }
0x7: {  	_ = 	snop  }
__scs_overlays_trampoline_lowered:
0x8: {  	[smem:$0x3FAA] =	sst s0  }
0x9: {  	[smem:$0x3FAB] =	sst s1  }
0xa: {  	[smem:$0x3FAC] =	sst s2  }
0xb: {  	[smem:$0x3FAD] =	sst s3  }
0xc: {  	[smem:$0x3FAE] =	sst s4  }
0xd: {  	[smem:$0x3FAF] =	sst s5  }
0xe: {  	[smem:$0x3FB0] =	sst s6  }
0xf: {  	[smem:$0x3FB1] =	sst s7  }
0x10: {  	[smem:$0x3FB2] =	sst s8  }
0x11: {  	[smem:$0x3FB3] =	sst s9;
	s0 =	simm.s32 @!p0 $0x0  }
0x12: {  	s1 =	sld [smem:$0x3F99];
	s0 =	simm.s32 @p0 $0x1  }
0x13: {  	[smem:$0x3FB4] =	sst s0;
	s0 =	simm.s32 @!p1 $0x0  }
0x14: {  	s2 =	sld [smem:$0x3F98];
	s0 =	simm.s32 @p1 $0x1  }
0x15: {  	[smem:$0x3FB5] =	sst s0;
	s0 =	simm.s32 @!p2 $0x0  }
0x16: {  	s3 =	sld [smem:$0x3FDB];
	s0 =	simm.s32 @p2 $0x1  }
0x17: {  	s4 =	simm.s32 $0x1BF5;
	[smem:$0x3FB7] =	sst s0  }
0x18: {  	s0 =	sld [smem:$0x3F9A];
	_ =	swait.ge [sflag:s4], $0x0  }
0x19: {  	s7 =	sld [smem:$0x3F9B]  }
0x1a: {  	s8 =	sadd.s32 $0xFFFFE003, lr  }
0x1b: {  	s9 =	sadd.s32 $0xFFFFFEF7, lr;
	s5 =	simm.s32 $0xFFFFFFFF;
	p2 =	slt.u32 s8, $0xFFFFF086  }
0x1c: {  	p1 =	slt.u32 s9, $0xF7A;
	s5 =	simm.s32 @!p2 $0x0  }
0x1d: {  	s5 =	simm.s32 @p1 $0x1;
	p0 =	seq.s32 s7, s2  }
0x1e: {  	s7 =	smul.u32 @!p0 $0xF7A, s2;
	p2 =	seq.s32 @!p0 s5, $0x0  }
0x1f: {  	s9 =	smul.u32 $0xF7A, s1;
	s8 =	simm.s32 @!p0 $0x1BF5;
	p2 =	por !p2, p0  }
0x20: {  	[sflag:s8] =	ssyncset.s32 @!p0 $0xFFFFF086;
	s6 =	sadd.s32 @!p0 s3, s7;
	s7 =	simm.s32 @!p0 $0x108  }
0x21: {  	s3 =	sadd.s32 s3, s9;
	s6 =	sadd.s32 @!p0 $0x88, s6;
	s7 =	simm.s32 @p2 $0x1082  }
0x22: {  	[simem:s7], [sflag:s8] =	dma.local @!p0 [hbm:s6], $0xF7A  }
0x23: {  	s9 =	sor.u32 $0xD0000000, s2;
	s6 =	simm.s32 $0x108;
	_ =	swait.ge @!p0 [sflag:s8], $0x0  }
0x24: {  	s3 =	sadd.s32 $0x88, s3;
	s6 =	simm.s32 @!p1 $0x1082;
	[sflag:s4] =	ssyncset.s32 $0xFFFFF086  }
0x25: {  	[simem:s6], [sflag:s4] =	dma.local [hbm:s3], $0xF7A  }
0x26: {  	[smem:$0x3F9B] =	sst s1;
	(tag) =	ssettag s2;
	_ =	strace s9  }
0x27: {  	s1 =	sld [smem:$0x3FAB]  }
0x28: {  	s2 =	sld [smem:$0x3FAC]  }
0x29: {  	s4 =	sld [smem:$0x3FAE]  }
0x2a: {  	p0 =	seq.s32 s5, $0x0;
	s5 =	sld [smem:$0x3FAF]  }
0x2b: {  	s6 =	sld [smem:$0x3FB0]  }
0x2c: {  	s7 =	sld [smem:$0x3FB1]  }
0x2d: {  	s3 =	simm.s32 $0x108;
	s8 =	sld [smem:$0x3FB2]  }
0x2e: {  	s3 =	simm.s32 @!p0 $0x1082;
	s9 =	sld [smem:$0x3FB3]  }
0x2f: {  	lr =	sadd.s32 s0, s3;
	s0 =	sld [smem:$0x3FAA]  }
0x30: {  	s3 =	sld [smem:$0x3FAD]  }
0x31: {  	[smem:$0x3FB6] =	sst s10  }
0x32: {  	s10 =	sld [smem:$0x3FB4];
	_ =	sdelay $0x3  }
0x33: {  	p0 =	seq.s32 s10, $0x1;
	s10 =	sld [smem:$0x3FB6];
	_ =	sdelay $0x3  }
0x34: {  	[smem:$0x3FB6] =	sst s10  }
0x35: {  	s10 =	sld [smem:$0x3FB5];
	_ =	sdelay $0x3  }
0x36: {  	p1 =	seq.s32 s10, $0x1;
	s10 =	sld [smem:$0x3FB6];
	_ =	sdelay $0x3  }
0x37: {  	[smem:$0x3FB6] =	sst s10  }
0x38: {  	s10 =	sld [smem:$0x3FB7]  }
0x39: {  	_ = 	snop;
	(pc) =	sbr.ind lr, $3  }
0x3a: {  	_ = 	snop  }
0x3b: {  	_ = 	snop  }
0x3c: {  	p2 =	seq.s32 s10, $0x1;
	s10 =	sld [smem:$0x3FB6]  }
0x3d: {  	_ =	shalt  }
0x3e: {  	_ =	shalt  }
0x3f: {  	_ =	shalt  }
0x40: {  	_ =	shalt  }
0x41: {  	_ =	shalt  }
0x42: {  	_ =	shalt  }
0x43: {  	_ =	shalt  }
0x44: {  	_ =	shalt  }
0x45: {  	_ =	shalt  }
0x46: {  	_ =	shalt  }
0x47: {  	_ =	shalt  }
0x48: {  	_ =	shalt  }
0x49: {  	_ =	shalt  }
0x4a: {  	_ =	shalt  }
0x4b: {  	_ =	shalt  }
0x4c: {  	_ =	shalt  }
0x4d: {  	_ =	shalt  }
0x4e: {  	_ =	shalt  }
0x4f: {  	_ =	shalt  }
0x50: {  	_ =	shalt  }
0x51: {  	_ =	shalt  }
0x52: {  	_ =	shalt  }
0x53: {  	_ =	shalt  }
0x54: {  	_ =	shalt  }
0x55: {  	_ =	shalt  }
0x56: {  	_ =	shalt  }
0x57: {  	_ =	shalt  }
0x58: {  	_ =	shalt  }
0x59: {  	_ =	shalt  }
0x5a: {  	_ =	shalt  }
0x5b: {  	_ =	shalt  }
0x5c: {  	_ =	shalt  }
0x5d: {  	_ =	shalt  }
0x5e: {  	_ =	shalt  }
0x5f: {  	_ =	shalt  }
0x60: {  	_ =	shalt  }
0x61: {  	_ =	shalt  }
0x62: {  	_ =	shalt  }
0x63: {  	_ =	shalt  }
0x64: {  	_ =	shalt  }
0x65: {  	_ =	shalt  }
0x66: {  	_ =	shalt  }
0x67: {  	_ =	shalt  }
0x68: {  	_ =	shalt  }
0x69: {  	_ =	shalt  }
0x6a: {  	_ =	shalt  }
0x6b: {  	_ =	shalt  }
0x6c: {  	_ =	shalt  }
0x6d: {  	_ =	shalt  }
0x6e: {  	_ =	shalt  }
0x6f: {  	_ =	shalt  }
0x70: {  	_ =	shalt  }
0x71: {  	_ =	shalt  }
0x72: {  	_ =	shalt  }
0x73: {  	_ =	shalt  }
0x74: {  	_ =	shalt  }
0x75: {  	_ =	shalt  }
0x76: {  	_ =	shalt  }
0x77: {  	_ =	shalt  }
0x78: {  	_ =	shalt  }
0x79: {  	_ =	shalt  }
0x7a: {  	_ =	shalt  }
0x7b: {  	_ =	shalt  }
0x7c: {  	_ =	shalt  }
0x7d: {  	_ =	shalt  }
0x7e: {  	_ =	shalt  }
0x7f: {  	_ =	shalt  }
0x80: {  	_ =	shalt  }
0x81: {  	_ =	shalt  }
0x82: {  	_ =	shalt  }
0x83: {  	_ =	shalt  }
0x84: {  	_ =	shalt  }
0x85: {  	_ =	shalt  }
0x86: {  	_ =	shalt  }
0x87: {  	_ =	shalt  }
.Lfunc_end0:
.L_simem_size_0:
called_computation_lowered:
.L_overlay_start_0:
0x88: {  	s2 =	sld [smem:$0x3FD9]  }
0x89: {  	s3 =	sld [smem:$0x3FFE];
	_ =	sdelay $0x1  }
0x8a: {  	s1 =	srdreg.scid  }
0x8b: {  	s0 =	sand.u32 $0x1, s1  }
0x8c: {  	s17 =	sshll.u32 s0, $0xA;
	s2 =	sadd.s32 s3, s2  }
0x8d: {  	s2 =	sadd.s32 s2, s17  }
0x8e: {  	[smem:$0x3FC2] =	sst s2  }
0x8f: {  	_ = 	snop  }
0x90: {  	s2 =	sld [smem:$0x3FC9]  }
0x91: {  	s18 =	sld [smem:$0x3FC6];
	(tm) =	ssettm $0x1  }
0x92: {  	s4 =	sld [smem:$0x3FFB];
	_ =	sdelay $0x3  }
0x93: {  	_ =	strace s4  }
0x94: {  	s4 =	sld [smem:$0x3FFC];
	_ =	sdelay $0x3  }
0x95: {  	_ =	strace s4  }
0x96: {  	s4 =	sld [smem:$0x3FFD];
	_ =	sdelay $0x3  }
0x97: {  	_ =	strace s4  }
0x98: {  	_ =	strace $0x8FFFFFFF  }
0x99: {  	s19 =	sld [smem:$0x3FDB];
	_ =	sdelay $0x1  }
0x9a: {  	s5 =	simm.s32 $_scs_section_size  }
0x9b: {  	s6 =	simm.s32 $_size__tile_overlayer_lowered;
	s7 =	simm.s32 $_tile_overlayer_lowered  }
0x9c: {  	s22 =	simm.s32 $0x1BFF;
	s21 =	sshll.u32 s7, $0x1;
	s4 =	sadd.s32 s5, s19  }
0x9d: {  	s8 =	simm.s32 $0x0;
	s20 =	sshll.u32 s6, $0x1;
	s6 =	sadd.s32 s21, s4  }
0x9e: {  	[timem:s8], [sflag:s22] =	dma.local [hbm:s6], s20  }
0x9f: {  	_ =	swait.ge [sflag:s22], s20  }
0xa0: {  	s5 =	ssub.s32 $0x0, s20;
	[sflag:s22] =	ssyncset.done $0x0  }
0xa1: {  	[sflag:s22] =	ssyncadd.s32 s5;
	_ =	sdelay $0x1  }
0xa2: {  	s23 =	simm.s32 $0x1B8B  }
0xa3: {  	_ =	swait.ge [sflag:s23], $0x1  }
0xa4: {  	[sflag:s23] =	ssyncset.done $0x0  }
0xa5: {  	s25 =	simm.s32 $0x1B8E;
	s24 =	sld [smem:$0x3FFE];
	[sflag:s23] =	ssyncadd.s32 $0xFFFFFFFF  }
0xa6: {  	s26 =	simm.s32 $execute0_lowered;
	[smem:$0x3FD2] =	sst s25  }
0xa7: {  	s6 =	sshll.u32 s26, $0x1;
	_ =	strace $0x80000046;
	[dreg:$0x1] =	wrdreg $0xFFFFFFFF  }
0xa8: {  	s28 =	simm.s32 $_size_execute0_lowered;
	s4 =	sadd.s32 s4, s6;
	[dreg:$0x0] =	wrdreg $0x0  }
0xa9: {  	s6 =	sshll.u32 s28, $0x1;
	[dreg:$0x2] =	wrdreg s4  }
0xaa: {  	[dreg:$0x3] =	wrdreg s6  }
0xab: {  	[dreg:$0x4] =	wrdreg $0xC0  }
0xac: {  	_ =	task [dreg:s8], $0x5FFFF  }
0xad: {  	[dreg:$0x1] =	wrdreg $0xFFFFFFFF  }
0xae: {  	[dreg:$0x0] =	wrdreg $0x60  }
0xaf: {  	[dreg:$0x2] =	wrdreg s2  }
0xb0: {  	[dreg:$0x3] =	wrdreg s18  }
0xb1: {  	[dreg:$0x4] =	wrdreg s24  }
0xb2: {  	[dreg:$0x5] =	wrdreg $0x9  }
0xb3: {  	_ =	task.clear_ibuf [dreg:s8], $0x6FFFF;
	_ =	strace $0x90000046  }
0xb4: {  	s29 =	simm.s32 $0x9;
	_ =	strace $0x80000048  }
0xb5: {  	_ =	swait.ge [sflag:s29], $0x1  }
0xb6: {  	[sflag:s29] =	ssyncadd.s32 $0xFFFFFFFF  }
0xb7: {  	_ =	strace $0x90000048  }
0xb8: {  	_ =	sfence  }
0xb9: {  	s30 =	sld [smem:$0x0];
	_ =	sdelay $0x2  }
0xba: {  	s31 =	sshll.u32 s1, $0xD;
	s1 =	sshrl.u32 s1, $0x2  }
0xbb: {  	s3 =	sand.u32 $0x4000, s31;
	s1 =	sadd.s32 s1, s30  }
0xbc: {  	s0 =	sor.u32 s3, s0;
	s1 =	sshll.u32 s1, $0x11  }
0xbd: {  	s0 =	sor.u32 s1, s0  }
0xbe: {  	s0 =	sadd.s32 $0x8F2B, s0  }
0xbf: {  	[sflag:s0] =	ssyncadd.remote.s32 $0x1  }
0xc0: {  	_ =	sfence.sel $0xFFFF  }
0xc1: {  	[dreg:$0x0] =	wrdreg $0xFFFFFFFF;
	(pc) =	sbr.abs _section_cstart, $3  }
0xc2: {  	[dreg:$0x1] =	wrdreg $0xFFFFFFFF  }
0xc3: {  	_ =	task.clear_ibuf [dreg:s8], $0x2FFFF;
	_ =	strace $0x9FFFFFFF  }
0xc4: {  	(tm) =	ssettm $0x7FFFFFFF  }
0xc5: {  	_ =	shalt  }
tec
execute0_lowered:
.L_overlay_start_1:
0x0: {  	(tag) =	ssettag $0x1  }
0x1: {  	s9 =	rddreg [dreg:$0x0]  }
0x2: {  	s10 =	rddreg [dreg:$0x1]  }
0x3: {  	s3 =	rddreg [dreg:$0x2]  }
0x4: {  	s0 =	rddreg [dreg:$0x3];
	s4 =	srdreg.scid  }
0x5: {  	s1 =	stileid.u32;
	s2 =	simm.s32 $0x0;
	s14 =	simm.s32 $0x1E80  }
0x6: {  	s15 =	simm.s32 $0x5B80;
	s16 =	simm.s32 $0x1;
	s17 =	simm.s32 $0x2  }
0x7: {  	s18 =	simm.s32 $0x7A00;
	s4 =	sand.u32 $0x1, s4;
	s5 =	sshll.u32 s1, $0x1  }
0x8: {  	s19 =	simm.s32 $0x3;
	s20 =	simm.s32 $0x0;
	s5 =	sor.u32 s4, s5  }
0x9: {  	[smem:$0x7FF] =	sst s2;
	s4 =	ssub.s32 $0x2, s4;
	s6 =	smul.u32 $0x1E80, s5  }
0xa: {  	s7 =	sshll.u32 s5, $0x4;
	s8 =	sshrl.u32 s4, $0x1;
	s5 =	smul.u32 $0x3D0, s5  }
0xb: {  	_ =	strace $0x80000047;
	s11 =	sadd.s32 s7, s3;
	s12 =	ssub.s32 s4, s8  }
0xc: {  	s13 =	sshrl.u32 s6, $0x3;
	s3 =	sadd.s32 s9, s5;
	s4 =	sadd.s32 s10, s5  }
0xd: {  	s11 =	sadd.s32 $0x1000, s11;
	s12 =	smax.u32 s12, $0x1;
	s6 =	sadd.s32 $0x7A00, s13  }
0xe: {  	s31 =	sadd.s32 $0xF400, s13;
	s13 =	sadd.s32 $0x16E00, s13;
	s5 =	sadd.s32 s9, s6  }
0xf: {  	s6 =	sadd.s32 s10, s6;
	s7 =	sadd.s32 s9, s31;
	s8 =	sadd.s32 s10, s31  }
0x10: {  	s9 =	sadd.s32 s9, s13;
	s10 =	sadd.s32 s10, s13;
	s13 =	simm.s32 $0x3D00  }
.LBB2_1:
0x11: {  	[tilespmem:s2], [sflag:$0x1] =	stream.linear.gather [hbm4b:s3+s2], $0x1E80, $0x38;
	[tilespmem:$0x7A80] =	vst v63  }
0x12: {  	_ = 	snop  }
0x13: {  	[tilespmem:s13], [sflag:$0x1] =	stream.linear.gather [hbm4b:s4+s2], $0x1E80, $0x38;
	[tilespmem:$0x7A80] =	vst v63  }
0x14: {  	_ = 	snop  }
0x15: {  	[tilespmem:s14], [sflag:$0x2] =	stream.linear.gather [hbm4b:s5+s2], $0x1E80, $0x38;
	[tilespmem:$0x7A80] =	vst v63  }
0x16: {  	_ = 	snop  }
0x17: {  	[tilespmem:s15], [sflag:$0x2] =	stream.linear.gather [hbm4b:s6+s2], $0x1E80, $0x38;
	[tilespmem:$0x7A80] =	vst v63  }
0x18: {  	_ =	swait.ge [sflag:s16], $0x1E80  }
0x19: {  	[sflag:s16] =	ssyncset.done $0x0  }
0x1a: {  	[sflag:s16] =	ssyncadd.s32 $0xFFFFE180  }
0x1b: {  	_ =	swait.ge [sflag:s16], $0x1E80  }
0x1c: {  	[sflag:s16] =	ssyncset.done $0x0  }
0x1d: {  	s21 =	simm.s32 $0x3D10;
	[sflag:s16] =	ssyncadd.s32 $0xFFFFE180  }
0x1e: {  	v0 =	vld [tilespmem:s21+$0x0]  }
0x1f: {  	s22 =	simm.s32 $0x10;
	v1 =	vld [tilespmem:s21+$0xFFFFFFF0]  }
0x20: {  	v4 =	vld [tilespmem:s22+$0x0];
	_ =	sdelay $0x1  }
0x21: {  	v6 =	vld [tilespmem:s22+$0xFFFFFFF0]  }
0x22: {  	s21 =	simm.s32 $0x3D30;
	v0 =	vcvt.s32.f32 v0  }
0x23: {  	v2 =	vld [tilespmem:s21+$0x0]  }
0x24: {  	s22 =	simm.s32 $0x30;
	v3 =	vld [tilespmem:s21+$0xFFFFFFF0];
	v1 =	vcvt.s32.f32 v1;
	v7 =	vmul.f32 v0, v4  }
0x25: {  	v5 =	vld [tilespmem:s22+$0x0];
	v0 =	vimm.f32 $0.0e+00  }
0x26: {  	s23 =	simm.s32 $0x20;
	v6 =	vmul.f32 v1, v6;
	v4 =	vld [tilespmem:s22+$0xFFFFFFF0];
	v1 =	vadd.f32 v7, v0  }
.LBB2_2:
0x27: {  	s23 =	sadd.s32 $0x20, s23  }
0x28: {  	v0 =	vadd.f32 v6, v0;
	p0 =	slt.u32 s23, $0x1E60  }
.Ltmp0:
0x29: {  	s21 =	sadd.s32 $0x20, s21;
	v6 =	vcvt.s32.f32 v2;
	(pc) =	sbr.rel @p0 .LBB2_2-.Ltmp0, $4  }
0x2a: {  	v2 =	vld [tilespmem:s21+$0x0];
	v7 =	vcvt.s32.f32 v3  }
0x2b: {  	s22 =	sadd.s32 $0x20, s22;
	v3 =	vld [tilespmem:s21+$0xFFFFFFF0];
	v8 =	vmul.f32 v6, v5  }
0x2c: {  	v5 =	vld [tilespmem:s22+$0x0];
	v6 =	vmul.f32 v7, v4  }
0x2d: {  	v4 =	vld [tilespmem:s22+$0xFFFFFFF0];
	v1 =	vadd.f32 v8, v1  }
0x2e: {  	[tilespmem:s2], [sflag:$0x1] =	stream.linear.gather [hbm4b:s7+s2], $0x1E80, $0x38;
	[tilespmem:$0x7A80] =	vst v63  }
0x2f: {  	_ = 	snop  }
0x30: {  	[tilespmem:s13], [sflag:$0x1] =	stream.linear.gather [hbm4b:s8+s2], $0x1E80, $0x38;
	[tilespmem:$0x7A80] =	vst v63  }
0x31: {  	_ =	swait.ge [sflag:s17], $0x1E80  }
0x32: {  	[sflag:s17] =	ssyncset.done $0x0  }
0x33: {  	[sflag:s17] =	ssyncadd.s32 $0xFFFFE180  }
0x34: {  	_ =	swait.ge [sflag:s17], $0x1E80  }
0x35: {  	[sflag:s17] =	ssyncset.done $0x0  }
0x36: {  	s21 =	simm.s32 $0x5B90;
	[sflag:s17] =	ssyncadd.s32 $0xFFFFE180  }
0x37: {  	v7 =	vld [tilespmem:s21+$0x0]  }
0x38: {  	s22 =	simm.s32 $0x1E90;
	v8 =	vld [tilespmem:s21+$0xFFFFFFF0]  }
0x39: {  	v9 =	vld [tilespmem:s22+$0x0]  }
0x3a: {  	v2 =	vcvt.s32.f32 v2  }
0x3b: {  	v3 =	vcvt.s32.f32 v3;
	v10 =	vld [tilespmem:s22+$0xFFFFFFF0]  }
0x3c: {  	v5 =	vmul.f32 v2, v5;
	s21 =	simm.s32 $0x5BB0;
	v7 =	vcvt.s32.f32 v7  }
0x3d: {  	v0 =	vadd.f32 v6, v0;
	v4 =	vmul.f32 v3, v4;
	v2 =	vld [tilespmem:s21+$0x0]  }
0x3e: {  	v1 =	vadd.f32 v5, v1;
	s22 =	simm.s32 $0x1EB0;
	v3 =	vld [tilespmem:s21+$0xFFFFFFF0];
	v6 =	vcvt.s32.f32 v8;
	v7 =	vmul.f32 v7, v9  }
0x3f: {  	v5 =	vld [tilespmem:s22+$0x0]  }
0x40: {  	s23 =	simm.s32 $0x20;
	v0 =	vadd.f32 v4, v0;
	v4 =	vld [tilespmem:s22+$0xFFFFFFF0];
	v6 =	vmul.f32 v6, v10;
	v1 =	vadd.f32 v7, v1  }
.LBB2_4:
0x41: {  	s23 =	sadd.s32 $0x20, s23  }
0x42: {  	v0 =	vadd.f32 v6, v0;
	p0 =	slt.u32 s23, $0x1E60  }
.Ltmp1:
0x43: {  	s21 =	sadd.s32 $0x20, s21;
	v6 =	vcvt.s32.f32 v2;
	(pc) =	sbr.rel @p0 .LBB2_4-.Ltmp1, $4  }
0x44: {  	v2 =	vld [tilespmem:s21+$0x0];
	v7 =	vcvt.s32.f32 v3  }
0x45: {  	s22 =	sadd.s32 $0x20, s22;
	v3 =	vld [tilespmem:s21+$0xFFFFFFF0];
	v8 =	vmul.f32 v6, v5  }
0x46: {  	v5 =	vld [tilespmem:s22+$0x0];
	v6 =	vmul.f32 v7, v4  }
0x47: {  	v4 =	vld [tilespmem:s22+$0xFFFFFFF0];
	v1 =	vadd.f32 v8, v1  }
0x48: {  	[tilespmem:s14], [sflag:$0x2] =	stream.linear.gather [hbm4b:s9+s2], $0x1E80, $0x38;
	[tilespmem:$0x7A80] =	vst v63  }
0x49: {  	_ = 	snop  }
0x4a: {  	[tilespmem:s15], [sflag:$0x2] =	stream.linear.gather [hbm4b:s10+s2], $0x1E80, $0x38;
	[tilespmem:$0x7A80] =	vst v63  }
0x4b: {  	_ =	swait.ge [sflag:s16], $0x1E80  }
0x4c: {  	[sflag:s16] =	ssyncset.done $0x0  }
0x4d: {  	[sflag:s16] =	ssyncadd.s32 $0xFFFFE180  }
0x4e: {  	_ =	swait.ge [sflag:s16], $0x1E80  }
0x4f: {  	[sflag:s16] =	ssyncset.done $0x0  }
0x50: {  	s21 =	simm.s32 $0x3D10;
	[sflag:s16] =	ssyncadd.s32 $0xFFFFE180  }
0x51: {  	v7 =	vld [tilespmem:s21+$0x0]  }
0x52: {  	s22 =	simm.s32 $0x10;
	v8 =	vld [tilespmem:s21+$0xFFFFFFF0]  }
0x53: {  	v9 =	vld [tilespmem:s22+$0x0]  }
0x54: {  	v2 =	vcvt.s32.f32 v2  }
0x55: {  	v3 =	vcvt.s32.f32 v3;
	v10 =	vld [tilespmem:s22+$0xFFFFFFF0]  }
0x56: {  	v5 =	vmul.f32 v2, v5;
	s21 =	simm.s32 $0x3D30;
	v7 =	vcvt.s32.f32 v7  }
0x57: {  	v0 =	vadd.f32 v6, v0;
	v4 =	vmul.f32 v3, v4;
	v2 =	vld [tilespmem:s21+$0x0]  }
0x58: {  	v1 =	vadd.f32 v5, v1;
	s22 =	simm.s32 $0x30;
	v3 =	vld [tilespmem:s21+$0xFFFFFFF0];
	v6 =	vcvt.s32.f32 v8;
	v7 =	vmul.f32 v7, v9  }
0x59: {  	v5 =	vld [tilespmem:s22+$0x0]  }
0x5a: {  	s23 =	simm.s32 $0x20;
	v0 =	vadd.f32 v4, v0;
	v4 =	vld [tilespmem:s22+$0xFFFFFFF0];
	v6 =	vmul.f32 v6, v10;
	v1 =	vadd.f32 v7, v1  }
.LBB2_6:
0x5b: {  	s23 =	sadd.s32 $0x20, s23  }
0x5c: {  	v0 =	vadd.f32 v6, v0;
	p0 =	slt.u32 s23, $0x1E60  }
.Ltmp2:
0x5d: {  	s21 =	sadd.s32 $0x20, s21;
	v6 =	vcvt.s32.f32 v2;
	(pc) =	sbr.rel @p0 .LBB2_6-.Ltmp2, $4  }
0x5e: {  	v2 =	vld [tilespmem:s21+$0x0];
	v7 =	vcvt.s32.f32 v3  }
0x5f: {  	s22 =	sadd.s32 $0x20, s22;
	v3 =	vld [tilespmem:s21+$0xFFFFFFF0];
	v8 =	vmul.f32 v6, v5  }
0x60: {  	v5 =	vld [tilespmem:s22+$0x0];
	v6 =	vmul.f32 v7, v4  }
0x61: {  	v4 =	vld [tilespmem:s22+$0xFFFFFFF0];
	v1 =	vadd.f32 v8, v1  }
0x62: {  	_ =	swait.ge [sflag:s17], $0x1E80  }
0x63: {  	[sflag:s17] =	ssyncset.done $0x0  }
0x64: {  	[sflag:s17] =	ssyncadd.s32 $0xFFFFE180  }
0x65: {  	_ =	swait.ge [sflag:s17], $0x1E80  }
0x66: {  	[sflag:s17] =	ssyncset.done $0x0  }
0x67: {  	s21 =	simm.s32 $0x5B90;
	[sflag:s17] =	ssyncadd.s32 $0xFFFFE180  }
0x68: {  	v7 =	vld [tilespmem:s21+$0x0]  }
0x69: {  	s22 =	simm.s32 $0x1E90;
	v8 =	vld [tilespmem:s21+$0xFFFFFFF0]  }
0x6a: {  	v9 =	vld [tilespmem:s22+$0x0]  }
0x6b: {  	v2 =	vcvt.s32.f32 v2  }
0x6c: {  	v3 =	vcvt.s32.f32 v3;
	v10 =	vld [tilespmem:s22+$0xFFFFFFF0]  }
0x6d: {  	v2 =	vmul.f32 v2, v5;
	s21 =	simm.s32 $0x5BB0;
	v5 =	vcvt.s32.f32 v7  }
0x6e: {  	v6 =	vadd.f32 v6, v0;
	v4 =	vmul.f32 v3, v4;
	s22 =	simm.s32 $0x1EB0;
	v0 =	vld [tilespmem:s21+$0x0]  }
0x6f: {  	v3 =	vld [tilespmem:s22+$0x0];
	v7 =	vadd.f32 v2, v1;
	v8 =	vcvt.s32.f32 v8;
	v9 =	vmul.f32 v5, v9  }
0x70: {  	v1 =	vld [tilespmem:s21+$0xFFFFFFF0]  }
0x71: {  	s23 =	simm.s32 $0x20;
	v2 =	vadd.f32 v4, v6;
	v6 =	vmul.f32 v8, v10;
	v5 =	vld [tilespmem:s22+$0xFFFFFFF0];
	v4 =	vadd.f32 v9, v7  }
.LBB2_8:
0x72: {  	s23 =	sadd.s32 $0x20, s23  }
0x73: {  	v2 =	vadd.f32 v6, v2;
	p0 =	slt.u32 s23, $0x1E60  }
.Ltmp3:
0x74: {  	s21 =	sadd.s32 $0x20, s21;
	v6 =	vcvt.s32.f32 v0;
	(pc) =	sbr.rel @p0 .LBB2_8-.Ltmp3, $4  }
0x75: {  	v0 =	vld [tilespmem:s21+$0x0];
	v7 =	vcvt.s32.f32 v1  }
0x76: {  	s22 =	sadd.s32 $0x20, s22;
	v1 =	vld [tilespmem:s21+$0xFFFFFFF0];
	v8 =	vmul.f32 v6, v3  }
0x77: {  	v3 =	vld [tilespmem:s22+$0x0];
	v6 =	vmul.f32 v7, v5  }
0x78: {  	v5 =	vld [tilespmem:s22+$0xFFFFFFF0];
	v4 =	vadd.f32 v8, v4  }
0x79: {  	_ =	sdelay $0x1  }
0x7a: {  	v0 =	vcvt.s32.f32 v0;
	v1 =	vcvt.s32.f32 v1;
	_ =	sdelay $0x1  }
0x7b: {  	v2 =	vadd.f32 v6, v2;
	v0 =	vmul.f32 v0, v3;
	v1 =	vmul.f32 v1, v5;
	_ =	sdelay $0x1  }
0x7c: {  	v0 =	vadd.f32 v0, v4;
	v1 =	vadd.f32 v1, v2;
	_ =	sdelay $0x1  }
0x7d: {  	s20 =	sadd.s32 $0x1, s20;
	v0 =	vadd.f32 v0, v1  }
0x7e: {  	p0 =	sne.s32 s20, s12  }
.Ltmp4:
0x7f: {  	[tilespmem:$0x7A00] =	vst v0;
	(pc) =	sbr.rel @p0 .LBB2_1-.Ltmp4, $4  }
0x80: {  	[hbm4b:s11+s2] =	stream.linear.scatter [tilespmem:s18], [sflag:$0x3], $0x80, $0x38;
	[tilespmem:$0x7A80] =	vst v63  }
0x81: {  	_ =	swait.ge [sflag:s19], $0x80  }
0x82: {  	[sflag:s19] =	ssyncset.done $0x0  }
0x83: {  	[sflag:s19] =	ssyncadd.s32 $0xFFFFFF80  }
0x84: {  	_ =	sfence.sel $0x180000  }
0x85: {  	[bflag:$0x0] =	sbarrier.arrive $0xFFFF  }
0x86: {  	p0 =	sne.s32 s1, $0x0;
	_ =	strace $0x90000047  }
0x87: {  	s0 =	sadd.s32 @!p0 $0x100000, s0;
	[bflag:$0x2] =	sbarrier.arrive $0xFFFF  }
0x88: {  	[sflag:s0] =	ssyncadd.tile.s32 @!p0 $0x1;
	_ =	shalt  }
.Lfunc_end2:
_tile_overlayer_lowered:
.L_overlay_start_2:
0x89: {  	(tag) =	ssettag $0x2  }
0x8a: {  	s0 =	rddreg [dreg:$0x0];
	s2 =	stileid.u32  }
0x8b: {  	s1 =	rddreg [dreg:$0x1];
	p0 =	sne.s32 s2, $0x0  }
0x8c: {  	s3 =	rddreg [dreg:$0x2];
	[bflag:$0x3] =	sbarrier.arrive $0xFFFF;
	s2 =	simm.s32 @!p0 $0x1C03  }
0x8d: {  	[timem:s3], [sflag:s2] =	dma.local @!p0 [hbm:s0], s1  }
0x8e: {  	s0 =	simm.s32 @!p0 $0x3  }
0x8f: {  	_ =	swait.ge @!p0 [sflag:s0], s1  }
0x90: {  	s1 =	ssub.s32 @!p0 $0x0, s1;
	[sflag:s0] =	ssyncset.done @!p0 $0x0  }
0x91: {  	[sflag:s0] =	ssyncadd.s32 @!p0 s1  }
0x92: {  	[bflag:$0x3] =	sbarrier.arrive $0xFFFF  }
0x93: {  	_ =	shalt  }

</sc_bundles>
